<compile_context>
chip_gen: v7x
topology: tpu7x:2x2x1
jax: 0.10.2.dev20260603
libtpu: 0.0.44.dev20260713+nightly
codegen_flags: <defaults>
</compile_context>

<pallas_src>
import functools

import jax
import jax.numpy as jnp
from jax import lax
from jax.experimental import pallas as pl
from jax.experimental.pallas import tpu as pltpu
from jax.experimental.pallas import tpu_sc as plsc

N = 8192
K = 16
KP_N = 25
SIGMA = 0.1
NC, NS = 2, 16
NW = NC * NS
F32 = jnp.float32
I32 = jnp.int32



def _sc_gather_body(idx_hbm, table_hbm, out_hbm, idx_v, r0, r1, sg0, sg1,
                    sw0, sw1, *, per_w, chunk, nch):
    wid = lax.axis_index("s") * NC + lax.axis_index("c")
    base = wid * per_w
    pltpu.sync_copy(idx_hbm.at[pl.ds(base, per_w)], idx_v)
    bufs = ((r0, sg0, sw0), (r1, sg1, sw1))

    def step(p, carry):
        for b in range(2):
            j = p * 2 + b
            r, sg, sw = bufs[b]

            @pl.when(p > 0)
            def _():
                pltpu.make_async_copy(
                    r, out_hbm.at[pl.ds(base + (j - 2) * chunk, chunk)], sw
                ).wait()

            pltpu.async_copy(table_hbm.at[idx_v.at[pl.ds(j * chunk, chunk)]],
                             r, sg)
        for b in range(2):
            j = p * 2 + b
            r, sg, sw = bufs[b]
            pltpu.make_async_copy(
                table_hbm.at[idx_v.at[pl.ds(j * chunk, chunk)]], r, sg).wait()
            pltpu.async_copy(r, out_hbm.at[pl.ds(base + j * chunk, chunk)], sw)
        return carry

    lax.fori_loop(0, nch // 2, step, 0)
    for b in range(2):
        r, sg, sw = bufs[b]
        j = nch - 2 + b
        pltpu.make_async_copy(
            r, out_hbm.at[pl.ds(base + j * chunk, chunk)], sw).wait()


@functools.partial(jax.jit, static_argnums=(2,))
def _sc_gather(table, idx, cols):
    m = idx.shape[0]
    per_w = m // NW
    chunk = min(128, per_w)
    nch = per_w // chunk
    assert nch % 2 == 0 or nch == 1, (m, per_w, chunk, nch)
    if nch == 1:
        chunk = per_w // 2
        nch = 2
    mesh = plsc.VectorSubcoreMesh(core_axis_name="c", subcore_axis_name="s",
                                  num_cores=NC, num_subcores=NS)
    body = functools.partial(_sc_gather_body, per_w=per_w, chunk=chunk,
                             nch=nch)
    return pl.kernel(
        body,
        out_type=jax.ShapeDtypeStruct((m, cols), F32),
        mesh=mesh,
        compiler_params=pltpu.CompilerParams(
            use_tc_tiling_on_sc=(cols % 128 == 0)),
        scratch_types=[
            pltpu.VMEM((per_w,), I32),
            pltpu.VMEM((chunk, cols), F32),
            pltpu.VMEM((chunk, cols), F32),
            pltpu.SemaphoreType.DMA,
            pltpu.SemaphoreType.DMA,
            pltpu.SemaphoreType.DMA,
            pltpu.SemaphoreType.DMA,
        ],
    )(idx, table)



def _knn_body(qp_ref, st_ref, out_ref, *, nk, t):
    q = qp_ref[...]
    st = st_ref[...]
    d = (jnp.sum(q * q, axis=1, keepdims=True)
         - 2.0 * jnp.dot(q[:, 0:3], st[0:3, :], preferred_element_type=F32)
         + jnp.sum(st * st, axis=0, keepdims=True))
    cols = lax.broadcasted_iota(I32, (t, N), 1)
    for kk in range(nk):
        idx = jnp.argmin(d, axis=1).astype(I32)
        out_ref[kk, :] = idx
        if kk + 1 < nk:
            d = jnp.where(cols == idx[:, None], jnp.float32(jnp.inf), d)


def _knn(qpad, st, nk, t=256):
    grid = qpad.shape[0] // t
    return pl.pallas_call(
        functools.partial(_knn_body, nk=nk, t=t),
        grid=(grid,),
        in_specs=[
            pl.BlockSpec((t, 8), lambda i: (i, 0)),
            pl.BlockSpec((8, N), lambda i: (0, 0)),
        ],
        out_specs=pl.BlockSpec((nk, t), lambda i: (0, i)),
        out_shape=jax.ShapeDtypeStruct((nk, qpad.shape[0]), I32),
    )(qpad, st)



def _wk_body(g0_ref, pp_ref, kpt_ref, w_ref, *, t):
    kpt = kpt_ref[...]
    kp2 = jnp.sum(kpt * kpt, axis=0, keepdims=True)
    p = pp_ref[...]
    for kk in range(K):
        gk = g0_ref[kk]
        rel = gk[:, 0:8] - p
        rr = jnp.sum(rel[:, 0:3] * rel[:, 0:3], axis=1, keepdims=True)
        d2 = rr - 2.0 * jnp.dot(rel, kpt, preferred_element_type=F32) + kp2
        d = jnp.sqrt(jnp.maximum(d2, 0.0) + 1e-12)
        w_ref[kk] = jnp.maximum(0.0, 1.0 - d / SIGMA).astype(jnp.bfloat16)


def _wkern(g0, ppad, kpt, t=256):
    grid = N // t
    return pl.pallas_call(
        functools.partial(_wk_body, t=t),
        grid=(grid,),
        in_specs=[
            pl.BlockSpec((K, t, 16), lambda i: (0, i, 0)),
            pl.BlockSpec((t, 8), lambda i: (i, 0)),
            pl.BlockSpec((8, KP_N), lambda i: (0, 0)),
        ],
        out_specs=pl.BlockSpec((K, t, KP_N), lambda i: (0, i, 0)),
        out_shape=jax.ShapeDtypeStruct((K, N, KP_N), jnp.bfloat16),
    )(g0, ppad, kpt)



def _conv_body(nf_ref, w_ref, wm_ref, y_ref, *, c, d, t):
    bf = jnp.bfloat16
    nfb = [nf_ref[kk].astype(bf).astype(F32) for kk in range(K)]
    wb = w_ref[...].astype(F32)
    acc = jnp.zeros((t, d), F32)
    for m in range(KP_N):
        fkm = wb[0, :, m:m + 1] * nfb[0]
        for kk in range(1, K):
            fkm = fkm + wb[kk, :, m:m + 1] * nfb[kk]
        acc = acc + jnp.dot(fkm.astype(bf), wm_ref[m],
                            preferred_element_type=F32)
    y_ref[...] = acc


def _conv(nf, w, wm):
    c, d = wm.shape[1], wm.shape[2]
    t = 512 if c <= 64 else (256 if c <= 256 else 128)
    grid = N // t
    wm = wm.astype(jnp.bfloat16)
    return pl.pallas_call(
        functools.partial(_conv_body, c=c, d=d, t=t),
        grid=(grid,),
        in_specs=[
            pl.BlockSpec((K, t, c), lambda i: (0, i, 0)),
            pl.BlockSpec((K, t, KP_N), lambda i: (0, i, 0)),
            pl.BlockSpec((KP_N, c, d), lambda i: (0, 0, 0)),
        ],
        out_specs=pl.BlockSpec((t, d), lambda i: (i, 0)),
        out_shape=jax.ShapeDtypeStruct((N, d), F32),
    )(nf, w, wm)



def _bn_body(y_ref, g_ref, b_ref, o_ref):
    y = y_ref[...]
    m = jnp.mean(y, axis=0, keepdims=True)
    yc = y - m
    v = jnp.mean(yc * yc, axis=0, keepdims=True)
    z = yc / jnp.sqrt(v + 1e-5) * g_ref[...] + b_ref[...]
    o_ref[...] = jnp.where(z >= 0.0, z, 0.2 * z)


def _bn_sub_body(y_ref, g_ref, b_ref, s_ref, o_ref, d_ref):
    y = y_ref[...]
    m = jnp.mean(y, axis=0, keepdims=True)
    yc = y - m
    v = jnp.mean(yc * yc, axis=0, keepdims=True)
    z = yc / jnp.sqrt(v + 1e-5) * g_ref[...] + b_ref[...]
    o = jnp.where(z >= 0.0, z, 0.2 * z)
    o_ref[...] = o
    d_ref[...] = o - s_ref[...]


def _bn(y, g, b):
    d = y.shape[1]
    return pl.pallas_call(
        _bn_body,
        out_shape=jax.ShapeDtypeStruct((N, d), F32),
    )(y, g.reshape(1, d), b.reshape(1, d))


def _bn_sub(y, g, b, s):
    d = y.shape[1]
    return pl.pallas_call(
        _bn_sub_body,
        out_shape=(jax.ShapeDtypeStruct((N, d), F32),
                   jax.ShapeDtypeStruct((N, d), F32)),
    )(y, g.reshape(1, d), b.reshape(1, d), s)



def _fc_body(x_ref, w1_ref, g_ref, b_ref, w2_ref, o_ref):
    bf = jnp.bfloat16
    h = jnp.dot(x_ref[...].astype(bf), w1_ref[...].astype(bf),
                preferred_element_type=F32)
    m = jnp.mean(h, axis=0, keepdims=True)
    hc = h - m
    v = jnp.mean(hc * hc, axis=0, keepdims=True)
    z = hc / jnp.sqrt(v + 1e-5) * g_ref[...] + b_ref[...]
    z = jnp.where(z >= 0.0, z, 0.2 * z)
    o_ref[...] = jnp.dot(z.astype(bf), w2_ref[...].astype(bf),
                         preferred_element_type=F32)


def _fc(x, w1, g, b, w2):
    return pl.pallas_call(
        _fc_body,
        out_shape=jax.ShapeDtypeStruct((N, w2.shape[1]), F32),
    )(x, w1, g.reshape(1, -1), b.reshape(1, -1), w2)



def kernel(pc0_pos, pc0_feat, pc0_batch, pc1_pos, pc1_feat, pc1_batch, k, kp,
           w_d0, g_d0, b_d0, w_d1, g_d1, b_d1, w_d2, g_d2, b_d2, w_d3, g_d3,
           b_d3, w_u0, g_u0, b_u0, w_u1, g_u1, b_u1, w_u2, g_u2, b_u2, fc_w1,
           fc_g, fc_b, fc_w2):
    koff = jnp.asarray(k, I32) - K

    p0 = jnp.pad(pc0_pos, ((0, 0), (0, 5)))
    p1 = jnp.pad(pc1_pos, ((0, 0), (0, 5)))
    p0t = p0.T
    p1t = p1.T
    kpt = jnp.pad(kp, ((0, 0), (0, 5))).T

    n1t = _knn(p0, p0t, K) + koff
    n2t = _knn(p1, p1t, K) + koff
    cross = _knn(p1, p0t, 1).reshape(N)
    idx1 = n1t.reshape(-1)
    idx2 = n2t.reshape(-1)

    t1 = jnp.pad(jnp.concatenate([pc0_pos, pc0_feat], axis=1),
                 ((0, 0), (0, 10)))
    t2 = jnp.pad(jnp.concatenate([pc1_pos, pc1_feat], axis=1),
                 ((0, 0), (0, 10)))
    g01 = _sc_gather(t1, idx1, 16).reshape(K, N, 16)
    g02 = _sc_gather(t2, idx2, 16).reshape(K, N, 16)
    w1 = _wkern(g01, p0, kpt)
    w2 = _wkern(g02, p1, kpt)

    wd = [jnp.pad(w_d0, ((0, 0), (0, 10), (0, 0))), w_d1, w_d2, w_d3]
    gd = [g_d0, g_d1, g_d2, g_d3]
    bd = [b_d0, b_d1, b_d2, b_d3]
    wu = [w_u0, w_u1, w_u2]
    gu = [g_u0, g_u1, g_u2]
    bu = [b_u0, b_u1, b_u2]

    nf1, nf2 = g01, g02
    stack = []
    x = None
    for i in range(4):
        dch = wd[i].shape[2]
        y1 = _conv(nf1, w1, wd[i])
        x1f = _bn(y1, gd[i], bd[i])
        x1c = _sc_gather(x1f, cross, dch)
        y2 = _conv(nf2, w2, wd[i])
        x2f, diff = _bn_sub(y2, gd[i], bd[i], x1c)
        if i < 3:
            stack.append(diff)
            nf1 = _sc_gather(x1f, idx1, dch).reshape(K, N, dch)
            nf2 = _sc_gather(x2f, idx2, dch).reshape(K, N, dch)
        else:
            x = diff

    for i in range(3):
        tab = jnp.concatenate([x, stack.pop()], axis=1)
        cch = tab.shape[1]
        pad = (-cch) % 128
        if pad:
            tab = jnp.pad(tab, ((0, 0), (0, pad)))
            wui = jnp.pad(wu[i], ((0, 0), (0, pad), (0, 0)))
            cch += pad
        else:
            wui = wu[i]
        nfu = _sc_gather(tab, idx2, cch).reshape(K, N, cch)
        yu = _conv(nfu, w2, wui)
        x = _bn(yu, gu[i], bu[i])

    return _fc(x, fc_w1, fc_g, fc_b, fc_w2)

# --- scband reference (transcript-rebuilt; emitter-appended) ---
"""Pipeline reference for scband-siamese-kpconv-81518479278781 (READ-ONLY COPY).

The authoritative reference and input builder live on the scoring server;
editing this copy changes nothing except your own understanding.
"""

import jax, jax.numpy as jnp
import numpy as np

N = 8192
KP_N = 25
SIGMA = 0.1
IN_CH = 6
DOWN = [32, 64, 128, 256]
UP = [256, 128, 64, 32]


def knn_idx(query, support, k):
    d = jnp.sum(query * query, axis=1, keepdims=True) - 2.0 * (query @ support.T) + jnp.sum(support * support, axis=1)[None, :]
    _, idx = jax.lax.top_k(-d, k)
    return jax.lax.stop_gradient(idx)


def kpconv(feats, pos, neigh_idx, kp, W):
    nf = feats[neigh_idx]
    rel = pos[neigh_idx] - pos[:, None, :]
    d = jnp.sqrt(jnp.sum((rel[:, :, None, :] - kp[None, None, :, :]) ** 2, axis=-1) + 1e-12)
    w = jnp.maximum(0.0, 1.0 - d / SIGMA)
    fk = jnp.einsum('nkm,nkc->nmc', w, nf)
    return jnp.einsum('nmc,mcd->nd', fk, W)


def bn_lrelu(x, g, b):
    m = jnp.mean(x, axis=0)
    v = jnp.var(x, axis=0)
    y = (x - m) / jnp.sqrt(v + 1e-5) * g + b
    return jnp.where(y >= 0.0, y, 0.2 * y)


def _make_params(key):
    params = {}
    ks = jax.random.split(key, 16)
    kp = jax.random.normal(ks[0], (KP_N, 3))
    kp = kp / (jnp.linalg.norm(kp, axis=1, keepdims=True) + 1e-6)
    params['kp'] = (kp * jnp.linspace(0.0, 1.0, KP_N)[:, None] * SIGMA * 1.5).astype(jnp.float32)
    down_dims = [(IN_CH, DOWN[0]), (DOWN[0], DOWN[1]), (DOWN[1], DOWN[2]), (DOWN[2], DOWN[3])]
    ki = 1
    for i, (ci, co) in enumerate(down_dims):
        params['w_d%d' % i] = (jax.random.normal(ks[ki], (KP_N, ci, co)) / np.sqrt(KP_N * ci)).astype(jnp.float32)
        params['g_d%d' % i] = jnp.ones((co,), dtype=jnp.float32)
        params['b_d%d' % i] = jnp.zeros((co,), dtype=jnp.float32)
        ki += 1
    up_dims = [(UP[0] + DOWN[2], UP[1]), (UP[1] + DOWN[1], UP[2]), (UP[2] + DOWN[0], UP[3])]
    for i, (ci, co) in enumerate(up_dims):
        params['w_u%d' % i] = (jax.random.normal(ks[ki], (KP_N, ci, co)) / np.sqrt(KP_N * ci)).astype(jnp.float32)
        params['g_u%d' % i] = jnp.ones((co,), dtype=jnp.float32)
        params['b_u%d' % i] = jnp.zeros((co,), dtype=jnp.float32)
        ki += 1
    params['fc_w1'] = (jax.random.normal(ks[ki], (UP[3], 64)) / np.sqrt(UP[3])).astype(jnp.float32)
    params['fc_g'] = jnp.ones((64,), dtype=jnp.float32)
    params['fc_b'] = jnp.zeros((64,), dtype=jnp.float32)
    params['fc_w2'] = (jax.random.normal(ks[ki + 1], (64, 2)) / np.sqrt(64.0)).astype(jnp.float32)
    return params


def setup_inputs(seed: int = 0):
    key = jax.random.key(seed)
    k0, k1, k2, k3, kparams = jax.random.split(key, 5)
    inp = {}
    inp['pc0_pos'] = jax.random.uniform(k0, (N, 3), dtype=jnp.float32)
    inp['pc0_feat'] = jax.random.normal(k1, (N, 3), dtype=jnp.float32)
    inp['pc0_batch'] = jnp.zeros((N,), dtype=jnp.int32)
    inp['pc1_pos'] = jax.random.uniform(k2, (N, 3), dtype=jnp.float32)
    inp['pc1_feat'] = jax.random.normal(k3, (N, 3), dtype=jnp.float32)
    inp['pc1_batch'] = jnp.zeros((N,), dtype=jnp.int32)
    inp['k'] = 16
    inp.update(_make_params(kparams))
    return inp


def _forward(pc0_pos, pc0_feat, pc1_pos, pc1_feat, kp, wd, gd, bd, wu, gu, bu, fc_w1, fc_g, fc_b, fc_w2, k):
    k_static = 16
    k_offset = (jnp.asarray(k, dtype=jnp.int32) - k_static)
    x1 = jnp.concatenate([pc0_pos, pc0_feat], axis=1)
    x2 = jnp.concatenate([pc1_pos, pc1_feat], axis=1)
    n1 = knn_idx(pc0_pos, pc0_pos, k_static) + k_offset
    n2 = knn_idx(pc1_pos, pc1_pos, k_static) + k_offset
    cross = knn_idx(pc1_pos, pc0_pos, 1)[:, 0]
    stack = []
    for i in range(3):
        x1 = bn_lrelu(kpconv(x1, pc0_pos, n1, kp, wd[i]), gd[i], bd[i])
        x2 = bn_lrelu(kpconv(x2, pc1_pos, n2, kp, wd[i]), gd[i], bd[i])
        stack.append(x2 - x1[cross])
    x1 = bn_lrelu(kpconv(x1, pc0_pos, n1, kp, wd[3]), gd[3], bd[3])
    x2 = bn_lrelu(kpconv(x2, pc1_pos, n2, kp, wd[3]), gd[3], bd[3])
    x = x2 - x1[cross]
    for i in range(3):
        x = jnp.concatenate([x, stack.pop()], axis=1)
        x = bn_lrelu(kpconv(x, pc1_pos, n2, kp, wu[i]), gu[i], bu[i])
    h = bn_lrelu(x @ fc_w1, fc_g, fc_b)
    return h @ fc_w2


def reference(pc0_pos, pc0_feat, pc0_batch, pc1_pos, pc1_feat, pc1_batch, k, kp, w_d0, g_d0, b_d0, w_d1, g_d1, b_d1, w_d2, g_d2, b_d2, w_d3, g_d3, b_d3, w_u0, g_u0, b_u0, w_u1, g_u1, b_u1, w_u2, g_u2, b_u2, fc_w1, fc_g, fc_b, fc_w2):
    return _forward(pc0_pos, pc0_feat, pc1_pos, pc1_feat, kp, [w_d0, w_d1, w_d2, w_d3], [g_d0, g_d1, g_d2, g_d3], [b_d0, b_d1, b_d2, b_d3], [w_u0, w_u1, w_u2], [g_u0, g_u1, g_u2], [b_u0, b_u1, b_u2], fc_w1, fc_g, fc_b, fc_w2, k)

if __name__ == "__main__":
    import jax
    _d = setup_inputs()
    print(jax.jit(kernel)(*tuple(_d.values())))

</pallas_src>

<mosaic_0001>
#map = affine_map<(d0, d1) -> (0)>
#map1 = affine_map<(d0, d1) -> (0, 0)>
module attributes {stable_mosaic.version = 14 : i64} {
  func.func @_sc_gather_body(%arg0: i32, %arg1: i32, %arg2: memref<131072xi32, #tpu.memory_space<hbm>>, %arg3: memref<8192x16xf32, #tpu.memory_space<hbm>>, %arg4: memref<131072x16xf32, #tpu.memory_space<hbm>>, %arg5: memref<4096xi32, #tpu.memory_space<vmem>>, %arg6: memref<128x16xf32, #tpu.memory_space<vmem>>, %arg7: memref<128x16xf32, #tpu.memory_space<vmem>>, %arg8: memref<!tpu.dma_semaphore, #tpu.memory_space<semaphore_mem>>, %arg9: memref<!tpu.dma_semaphore, #tpu.memory_space<semaphore_mem>>, %arg10: memref<!tpu.dma_semaphore, #tpu.memory_space<semaphore_mem>>, %arg11: memref<!tpu.dma_semaphore, #tpu.memory_space<semaphore_mem>>) attributes {dimension_semantics = [#tpu.dimension_semantics<core_parallel>, #tpu.dimension_semantics<subcore_parallel>], iteration_bounds = array<i64: 2, 16>, scalar_prefetch = 0 : i64, scratch_operands = 7 : i64, tpu.core_type = #tpu.core_type<sc_vector_subcore>, window_params = [{transform_indices = #map}, {transform_indices = #map1}, {transform_indices = #map1}]} {
    %mul3A = arith.constant 2 : i32
    %mul3A_0 = arith.muli %arg1, %mul3A : i32
    %add3A = arith.addi %mul3A_0, %arg0 : i32
    %mul3A_1 = arith.constant 4096 : i32
    %mul3A_2 = arith.muli %add3A, %mul3A_1 : i32
    "tpu.region"() ({
      %run_scoped3A = tpu.sem_alloc : memref<!tpu.dma_semaphore, #tpu.memory_space<semaphore_mem>>
      %dma_start3A = tpu.memref_slice %arg2[%mul3A_2] : memref<131072xi32, #tpu.memory_space<hbm>> -> memref<4096xi32, #tpu.memory_space<hbm>>
      %dma_start3A_19 = tpu.memref_slice %arg2[%mul3A_2] : memref<131072xi32, #tpu.memory_space<hbm>> -> memref<4096xi32, #tpu.memory_space<hbm>>
      tpu.enqueue_dma source(%dma_start3A_19 : memref<4096xi32, #tpu.memory_space<hbm>>) target(%arg5 : memref<4096xi32, #tpu.memory_space<vmem>>) target_semaphore(%run_scoped3A : memref<!tpu.dma_semaphore, #tpu.memory_space<semaphore_mem>>)
      %dma_wait3A_20 = tpu.memref_slice %arg2[%mul3A_2] : memref<131072xi32, #tpu.memory_space<hbm>> -> memref<4096xi32, #tpu.memory_space<hbm>>
      %dma_wait3A_21 = tpu.memref_slice %arg2[%mul3A_2] : memref<131072xi32, #tpu.memory_space<hbm>> -> memref<4096xi32, #tpu.memory_space<hbm>>
      tpu.wait_dma2 semaphore(%run_scoped3A : memref<!tpu.dma_semaphore, #tpu.memory_space<semaphore_mem>>) src(%dma_wait3A_21 : memref<4096xi32, #tpu.memory_space<hbm>>) dst(%arg5 : memref<4096xi32, #tpu.memory_space<vmem>>)
      tpu.yield
    }) : () -> ()
    %scan3A = arith.constant 0 : i32
    %scan3A_3 = arith.constant 0 : i32
    %scan3A_4 = arith.constant 16 : i32
    %scan3A_5 = arith.addi %scan3A_3, %scan3A_4 : i32
    %scan3A_6 = arith.constant 1 : i32
    scf.for %scan3A_19 = %scan3A_3 to %scan3A_5 step %scan3A_6  : i32 {
      %mul3A_20 = arith.constant 2 : i32
      %mul3A_21 = arith.muli %scan3A_19, %mul3A_20 : i32
      %add3A_22 = arith.constant 0 : i32
      %add3A_23 = arith.addi %mul3A_21, %add3A_22 : i32
      %gt3A = arith.constant 0 : i32
      %gt3A_24 = arith.cmpi sgt, %scan3A_19, %gt3A : i32
      %convert_element_type3A = arith.extui %gt3A_24 : i1 to i32
      %cond3A = arith.constant 0 : i32
      %cond3A_25 = arith.cmpi ne, %convert_element_type3A, %cond3A : i32
      scf.if %cond3A_25 {
        %sub3A = arith.constant 2 : i32
        %sub3A_80 = arith.subi %add3A_23, %sub3A : i32
        %mul3A_81 = arith.constant 128 : i32
        %mul3A_82 = arith.muli %sub3A_80, %mul3A_81 : i32
        %add3A_83 = arith.addi %mul3A_2, %mul3A_82 : i32
        %dma_wait3A_84 = arith.constant 0 : i32
        %dma_wait3A_85 = tpu.memref_slice %arg4[%add3A_83, %dma_wait3A_84] : memref<131072x16xf32, #tpu.memory_space<hbm>> -> memref<128x16xf32, #tpu.memory_space<hbm>>
        %dma_wait3A_86 = arith.constant 0 : i32
        %dma_wait3A_87 = tpu.memref_slice %arg4[%add3A_83, %dma_wait3A_86] : memref<131072x16xf32, #tpu.memory_space<hbm>> -> memref<128x16xf32, #tpu.memory_space<hbm>>
        tpu.wait_dma2 semaphore(%arg10 : memref<!tpu.dma_semaphore, #tpu.memory_space<semaphore_mem>>) src(%arg6 : memref<128x16xf32, #tpu.memory_space<vmem>>) dst(%dma_wait3A_87 : memref<128x16xf32, #tpu.memory_space<hbm>>)
      } else {
      }
      %mul3A_26 = arith.constant 128 : i32
      %mul3A_27 = arith.muli %add3A_23, %mul3A_26 : i32
      %dma_start3A = tpu.memref_slice %arg5[%mul3A_27] : memref<4096xi32, #tpu.memory_space<vmem>> -> memref<128xi32, #tpu.memory_space<vmem>>
      %dma_start3A_28 = arith.constant 0 : i32
      %dma_start3A_29 = arith.constant 0 : i32
      %dma_start3A_30 = tpu.memref_slice %arg3[%dma_start3A_28, %dma_start3A_29] : memref<8192x16xf32, #tpu.memory_space<hbm>> -> memref<8192x16xf32, #tpu.memory_space<hbm>>
      tpu.enqueue_indirect_dma source(%dma_start3A_30 : memref<8192x16xf32, #tpu.memory_space<hbm>>) target(%arg6 : memref<128x16xf32, #tpu.memory_space<vmem>>) offsets(%dma_start3A : memref<128xi32, #tpu.memory_space<vmem>>) semaphore(%arg8 : memref<!tpu.dma_semaphore, #tpu.memory_space<semaphore_mem>>)
      %mul3A_31 = arith.constant 2 : i32
      %mul3A_32 = arith.muli %scan3A_19, %mul3A_31 : i32
      %add3A_33 = arith.constant 1 : i32
      %add3A_34 = arith.addi %mul3A_32, %add3A_33 : i32
      %gt3A_35 = arith.constant 0 : i32
      %gt3A_36 = arith.cmpi sgt, %scan3A_19, %gt3A_35 : i32
      %convert_element_type3A_37 = arith.extui %gt3A_36 : i1 to i32
      %cond3A_38 = arith.constant 0 : i32
      %cond3A_39 = arith.cmpi ne, %convert_element_type3A_37, %cond3A_38 : i32
      scf.if %cond3A_39 {
        %sub3A = arith.constant 2 : i32
        %sub3A_80 = arith.subi %add3A_34, %sub3A : i32
        %mul3A_81 = arith.constant 128 : i32
        %mul3A_82 = arith.muli %sub3A_80, %mul3A_81 : i32
        %add3A_83 = arith.addi %mul3A_2, %mul3A_82 : i32
        %dma_wait3A_84 = arith.constant 0 : i32
        %dma_wait3A_85 = tpu.memref_slice %arg4[%add3A_83, %dma_wait3A_84] : memref<131072x16xf32, #tpu.memory_space<hbm>> -> memref<128x16xf32, #tpu.memory_space<hbm>>
        %dma_wait3A_86 = arith.constant 0 : i32
        %dma_wait3A_87 = tpu.memref_slice %arg4[%add3A_83, %dma_wait3A_86] : memref<131072x16xf32, #tpu.memory_space<hbm>> -> memref<128x16xf32, #tpu.memory_space<hbm>>
        tpu.wait_dma2 semaphore(%arg11 : memref<!tpu.dma_semaphore, #tpu.memory_space<semaphore_mem>>) src(%arg7 : memref<128x16xf32, #tpu.memory_space<vmem>>) dst(%dma_wait3A_87 : memref<128x16xf32, #tpu.memory_space<hbm>>)
      } else {
      }
      %mul3A_40 = arith.constant 128 : i32
      %mul3A_41 = arith.muli %add3A_34, %mul3A_40 : i32
      %dma_start3A_42 = tpu.memref_slice %arg5[%mul3A_41] : memref<4096xi32, #tpu.memory_space<vmem>> -> memref<128xi32, #tpu.memory_space<vmem>>
      %dma_start3A_43 = arith.constant 0 : i32
      %dma_start3A_44 = arith.constant 0 : i32
      %dma_start3A_45 = tpu.memref_slice %arg3[%dma_start3A_43, %dma_start3A_44] : memref<8192x16xf32, #tpu.memory_space<hbm>> -> memref<8192x16xf32, #tpu.memory_space<hbm>>
      tpu.enqueue_indirect_dma source(%dma_start3A_45 : memref<8192x16xf32, #tpu.memory_space<hbm>>) target(%arg7 : memref<128x16xf32, #tpu.memory_space<vmem>>) offsets(%dma_start3A_42 : memref<128xi32, #tpu.memory_space<vmem>>) semaphore(%arg9 : memref<!tpu.dma_semaphore, #tpu.memory_space<semaphore_mem>>)
      %mul3A_46 = arith.constant 2 : i32
      %mul3A_47 = arith.muli %scan3A_19, %mul3A_46 : i32
      %add3A_48 = arith.constant 0 : i32
      %add3A_49 = arith.addi %mul3A_47, %add3A_48 : i32
      %mul3A_50 = arith.constant 128 : i32
      %mul3A_51 = arith.muli %add3A_49, %mul3A_50 : i32
      %dma_wait3A_52 = tpu.memref_slice %arg5[%mul3A_51] : memref<4096xi32, #tpu.memory_space<vmem>> -> memref<128xi32, #tpu.memory_space<vmem>>
      %dma_wait3A_53 = arith.constant 0 : i32
      %dma_wait3A_54 = arith.constant 0 : i32
      %dma_wait3A_55 = tpu.memref_slice %arg3[%dma_wait3A_53, %dma_wait3A_54] : memref<8192x16xf32, #tpu.memory_space<hbm>> -> memref<8192x16xf32, #tpu.memory_space<hbm>>
      tpu.wait_indirect_dma semaphore(%arg8 : memref<!tpu.dma_semaphore, #tpu.memory_space<semaphore_mem>>) src(%dma_wait3A_55 : memref<8192x16xf32, #tpu.memory_space<hbm>>) dst(%arg6 : memref<128x16xf32, #tpu.memory_space<vmem>>)
      %mul3A_56 = arith.constant 128 : i32
      %mul3A_57 = arith.muli %add3A_49, %mul3A_56 : i32
      %add3A_58 = arith.addi %mul3A_2, %mul3A_57 : i32
      %dma_start3A_59 = arith.constant 0 : i32
      %dma_start3A_60 = tpu.memref_slice %arg4[%add3A_58, %dma_start3A_59] : memref<131072x16xf32, #tpu.memory_space<hbm>> -> memref<128x16xf32, #tpu.memory_space<hbm>>
      %dma_start3A_61 = arith.constant 0 : i32
      %dma_start3A_62 = tpu.memref_slice %arg4[%add3A_58, %dma_start3A_61] : memref<131072x16xf32, #tpu.memory_space<hbm>> -> memref<128x16xf32, #tpu.memory_space<hbm>>
      tpu.enqueue_dma source(%arg6 : memref<128x16xf32, #tpu.memory_space<vmem>>) target(%dma_start3A_62 : memref<128x16xf32, #tpu.memory_space<hbm>>) target_semaphore(%arg10 : memref<!tpu.dma_semaphore, #tpu.memory_space<semaphore_mem>>)
      %mul3A_63 = arith.constant 2 : i32
      %mul3A_64 = arith.muli %scan3A_19, %mul3A_63 : i32
      %add3A_65 = arith.constant 1 : i32
      %add3A_66 = arith.addi %mul3A_64, %add3A_65 : i32
      %mul3A_67 = arith.constant 128 : i32
      %mul3A_68 = arith.muli %add3A_66, %mul3A_67 : i32
      %dma_wait3A_69 = tpu.memref_slice %arg5[%mul3A_68] : memref<4096xi32, #tpu.memory_space<vmem>> -> memref<128xi32, #tpu.memory_space<vmem>>
      %dma_wait3A_70 = arith.constant 0 : i32
      %dma_wait3A_71 = arith.constant 0 : i32
      %dma_wait3A_72 = tpu.memref_slice %arg3[%dma_wait3A_70, %dma_wait3A_71] : memref<8192x16xf32, #tpu.memory_space<hbm>> -> memref<8192x16xf32, #tpu.memory_space<hbm>>
      tpu.wait_indirect_dma semaphore(%arg9 : memref<!tpu.dma_semaphore, #tpu.memory_space<semaphore_mem>>) src(%dma_wait3A_72 : memref<8192x16xf32, #tpu.memory_space<hbm>>) dst(%arg7 : memref<128x16xf32, #tpu.memory_space<vmem>>)
      %mul3A_73 = arith.constant 128 : i32
      %mul3A_74 = arith.muli %add3A_66, %mul3A_73 : i32
      %add3A_75 = arith.addi %mul3A_2, %mul3A_74 : i32
      %dma_start3A_76 = arith.constant 0 : i32
      %dma_start3A_77 = tpu.memref_slice %arg4[%add3A_75, %dma_start3A_76] : memref<131072x16xf32, #tpu.memory_space<hbm>> -> memref<128x16xf32, #tpu.memory_space<hbm>>
      %dma_start3A_78 = arith.constant 0 : i32
      %dma_start3A_79 = tpu.memref_slice %arg4[%add3A_75, %dma_start3A_78] : memref<131072x16xf32, #tpu.memory_space<hbm>> -> memref<128x16xf32, #tpu.memory_space<hbm>>
      tpu.enqueue_dma source(%arg7 : memref<128x16xf32, #tpu.memory_space<vmem>>) target(%dma_start3A_79 : memref<128x16xf32, #tpu.memory_space<hbm>>) target_semaphore(%arg11 : memref<!tpu.dma_semaphore, #tpu.memory_space<semaphore_mem>>)
    }
    %scan3A_7 = arith.constant 16 : i32
    %add3A_8 = arith.constant 3840 : i32
    %add3A_9 = arith.addi %mul3A_2, %add3A_8 : i32
    %dma_wait3A = arith.constant 0 : i32
    %dma_wait3A_10 = tpu.memref_slice %arg4[%add3A_9, %dma_wait3A] : memref<131072x16xf32, #tpu.memory_space<hbm>> -> memref<128x16xf32, #tpu.memory_space<hbm>>
    %dma_wait3A_11 = arith.constant 0 : i32
    %dma_wait3A_12 = tpu.memref_slice %arg4[%add3A_9, %dma_wait3A_11] : memref<131072x16xf32, #tpu.memory_space<hbm>> -> memref<128x16xf32, #tpu.memory_space<hbm>>
    tpu.wait_dma2 semaphore(%arg10 : memref<!tpu.dma_semaphore, #tpu.memory_space<semaphore_mem>>) src(%arg6 : memref<128x16xf32, #tpu.memory_space<vmem>>) dst(%dma_wait3A_12 : memref<128x16xf32, #tpu.memory_space<hbm>>)
    %add3A_13 = arith.constant 3968 : i32
    %add3A_14 = arith.addi %mul3A_2, %add3A_13 : i32
    %dma_wait3A_15 = arith.constant 0 : i32
    %dma_wait3A_16 = tpu.memref_slice %arg4[%add3A_14, %dma_wait3A_15] : memref<131072x16xf32, #tpu.memory_space<hbm>> -> memref<128x16xf32, #tpu.memory_space<hbm>>
    %dma_wait3A_17 = arith.constant 0 : i32
    %dma_wait3A_18 = tpu.memref_slice %arg4[%add3A_14, %dma_wait3A_17] : memref<131072x16xf32, #tpu.memory_space<hbm>> -> memref<128x16xf32, #tpu.memory_space<hbm>>
    tpu.wait_dma2 semaphore(%arg11 : memref<!tpu.dma_semaphore, #tpu.memory_space<semaphore_mem>>) src(%arg7 : memref<128x16xf32, #tpu.memory_space<vmem>>) dst(%dma_wait3A_18 : memref<128x16xf32, #tpu.memory_space<hbm>>)
    return
  }
}

</mosaic_0001>

<sc_bundles>
// kernel: _sc_gather.3.cloned.1.call-start
scs
__scs_entry_jumppad:
0x0: {  	(pc) =	sbr.rel $0x88, $3  }
0x1: {  	(tag) =	ssettag $0x0;
	lr =	simm.s32 $0x1  }
0x2: {  	[smem:$0x3F9F] =	sst lr;
	_ =	strace $0xD0000000  }
0x3: {  	_ = 	snop  }
0x4: {  	_ = 	snop  }
0x5: {  	_ = 	snop  }
0x6: {  	_ = 	snop  }
0x7: {  	_ = 	snop  }
__scs_overlays_trampoline_lowered:
0x8: {  	[smem:$0x3FAE] =	sst s0  }
0x9: {  	[smem:$0x3FAF] =	sst s1  }
0xa: {  	[smem:$0x3FB0] =	sst s2  }
0xb: {  	[smem:$0x3FB1] =	sst s3  }
0xc: {  	[smem:$0x3FB2] =	sst s4  }
0xd: {  	[smem:$0x3FB3] =	sst s5  }
0xe: {  	[smem:$0x3FB4] =	sst s6  }
0xf: {  	[smem:$0x3FB5] =	sst s7  }
0x10: {  	[smem:$0x3FB6] =	sst s8  }
0x11: {  	[smem:$0x3FB7] =	sst s9;
	s0 =	simm.s32 @!p0 $0x0  }
0x12: {  	s1 =	sld [smem:$0x3F9D];
	s0 =	simm.s32 @p0 $0x1  }
0x13: {  	[smem:$0x3FB8] =	sst s0;
	s0 =	simm.s32 @!p1 $0x0  }
0x14: {  	s2 =	sld [smem:$0x3F9C];
	s0 =	simm.s32 @p1 $0x1  }
0x15: {  	[smem:$0x3FB9] =	sst s0;
	s0 =	simm.s32 @!p2 $0x0  }
0x16: {  	s3 =	sld [smem:$0x3FDB];
	s0 =	simm.s32 @p2 $0x1  }
0x17: {  	s4 =	simm.s32 $0x1BF5;
	[smem:$0x3FBB] =	sst s0  }
0x18: {  	s0 =	sld [smem:$0x3F9E];
	_ =	swait.ge [sflag:s4], $0x0  }
0x19: {  	s7 =	sld [smem:$0x3F9F]  }
0x1a: {  	s8 =	sadd.s32 $0xFFFFE003, lr  }
0x1b: {  	s9 =	sadd.s32 $0xFFFFFEF7, lr;
	s5 =	simm.s32 $0xFFFFFFFF;
	p2 =	slt.u32 s8, $0xFFFFF086  }
0x1c: {  	p1 =	slt.u32 s9, $0xF7A;
	s5 =	simm.s32 @!p2 $0x0  }
0x1d: {  	s5 =	simm.s32 @p1 $0x1;
	p0 =	seq.s32 s7, s2  }
0x1e: {  	s7 =	smul.u32 @!p0 $0xF7A, s2;
	p2 =	seq.s32 @!p0 s5, $0x0  }
0x1f: {  	s9 =	smul.u32 $0xF7A, s1;
	s8 =	simm.s32 @!p0 $0x1BF5;
	p2 =	por !p2, p0  }
0x20: {  	[sflag:s8] =	ssyncset.s32 @!p0 $0xFFFFF086;
	s6 =	sadd.s32 @!p0 s3, s7;
	s7 =	simm.s32 @!p0 $0x108  }
0x21: {  	s3 =	sadd.s32 s3, s9;
	s6 =	sadd.s32 @!p0 $0x88, s6;
	s7 =	simm.s32 @p2 $0x1082  }
0x22: {  	[simem:s7], [sflag:s8] =	dma.local @!p0 [hbm:s6], $0xF7A  }
0x23: {  	s9 =	sor.u32 $0xD0000000, s2;
	s6 =	simm.s32 $0x108;
	_ =	swait.ge @!p0 [sflag:s8], $0x0  }
0x24: {  	s3 =	sadd.s32 $0x88, s3;
	s6 =	simm.s32 @!p1 $0x1082;
	[sflag:s4] =	ssyncset.s32 $0xFFFFF086  }
0x25: {  	[simem:s6], [sflag:s4] =	dma.local [hbm:s3], $0xF7A  }
0x26: {  	[smem:$0x3F9F] =	sst s1;
	(tag) =	ssettag s2;
	_ =	strace s9  }
0x27: {  	s1 =	sld [smem:$0x3FAF]  }
0x28: {  	s2 =	sld [smem:$0x3FB0]  }
0x29: {  	s4 =	sld [smem:$0x3FB2]  }
0x2a: {  	p0 =	seq.s32 s5, $0x0;
	s5 =	sld [smem:$0x3FB3]  }
0x2b: {  	s6 =	sld [smem:$0x3FB4]  }
0x2c: {  	s7 =	sld [smem:$0x3FB5]  }
0x2d: {  	s3 =	simm.s32 $0x108;
	s8 =	sld [smem:$0x3FB6]  }
0x2e: {  	s3 =	simm.s32 @!p0 $0x1082;
	s9 =	sld [smem:$0x3FB7]  }
0x2f: {  	lr =	sadd.s32 s0, s3;
	s0 =	sld [smem:$0x3FAE]  }
0x30: {  	s3 =	sld [smem:$0x3FB1]  }
0x31: {  	[smem:$0x3FBA] =	sst s10  }
0x32: {  	s10 =	sld [smem:$0x3FB8];
	_ =	sdelay $0x3  }
0x33: {  	p0 =	seq.s32 s10, $0x1;
	s10 =	sld [smem:$0x3FBA];
	_ =	sdelay $0x3  }
0x34: {  	[smem:$0x3FBA] =	sst s10  }
0x35: {  	s10 =	sld [smem:$0x3FB9];
	_ =	sdelay $0x3  }
0x36: {  	p1 =	seq.s32 s10, $0x1;
	s10 =	sld [smem:$0x3FBA];
	_ =	sdelay $0x3  }
0x37: {  	[smem:$0x3FBA] =	sst s10  }
0x38: {  	s10 =	sld [smem:$0x3FBB]  }
0x39: {  	_ = 	snop;
	(pc) =	sbr.ind lr, $3  }
0x3a: {  	_ = 	snop  }
0x3b: {  	_ = 	snop  }
0x3c: {  	p2 =	seq.s32 s10, $0x1;
	s10 =	sld [smem:$0x3FBA]  }
0x3d: {  	_ =	shalt  }
0x3e: {  	_ =	shalt  }
0x3f: {  	_ =	shalt  }
0x40: {  	_ =	shalt  }
0x41: {  	_ =	shalt  }
0x42: {  	_ =	shalt  }
0x43: {  	_ =	shalt  }
0x44: {  	_ =	shalt  }
0x45: {  	_ =	shalt  }
0x46: {  	_ =	shalt  }
0x47: {  	_ =	shalt  }
0x48: {  	_ =	shalt  }
0x49: {  	_ =	shalt  }
0x4a: {  	_ =	shalt  }
0x4b: {  	_ =	shalt  }
0x4c: {  	_ =	shalt  }
0x4d: {  	_ =	shalt  }
0x4e: {  	_ =	shalt  }
0x4f: {  	_ =	shalt  }
0x50: {  	_ =	shalt  }
0x51: {  	_ =	shalt  }
0x52: {  	_ =	shalt  }
0x53: {  	_ =	shalt  }
0x54: {  	_ =	shalt  }
0x55: {  	_ =	shalt  }
0x56: {  	_ =	shalt  }
0x57: {  	_ =	shalt  }
0x58: {  	_ =	shalt  }
0x59: {  	_ =	shalt  }
0x5a: {  	_ =	shalt  }
0x5b: {  	_ =	shalt  }
0x5c: {  	_ =	shalt  }
0x5d: {  	_ =	shalt  }
0x5e: {  	_ =	shalt  }
0x5f: {  	_ =	shalt  }
0x60: {  	_ =	shalt  }
0x61: {  	_ =	shalt  }
0x62: {  	_ =	shalt  }
0x63: {  	_ =	shalt  }
0x64: {  	_ =	shalt  }
0x65: {  	_ =	shalt  }
0x66: {  	_ =	shalt  }
0x67: {  	_ =	shalt  }
0x68: {  	_ =	shalt  }
0x69: {  	_ =	shalt  }
0x6a: {  	_ =	shalt  }
0x6b: {  	_ =	shalt  }
0x6c: {  	_ =	shalt  }
0x6d: {  	_ =	shalt  }
0x6e: {  	_ =	shalt  }
0x6f: {  	_ =	shalt  }
0x70: {  	_ =	shalt  }
0x71: {  	_ =	shalt  }
0x72: {  	_ =	shalt  }
0x73: {  	_ =	shalt  }
0x74: {  	_ =	shalt  }
0x75: {  	_ =	shalt  }
0x76: {  	_ =	shalt  }
0x77: {  	_ =	shalt  }
0x78: {  	_ =	shalt  }
0x79: {  	_ =	shalt  }
0x7a: {  	_ =	shalt  }
0x7b: {  	_ =	shalt  }
0x7c: {  	_ =	shalt  }
0x7d: {  	_ =	shalt  }
0x7e: {  	_ =	shalt  }
0x7f: {  	_ =	shalt  }
0x80: {  	_ =	shalt  }
0x81: {  	_ =	shalt  }
0x82: {  	_ =	shalt  }
0x83: {  	_ =	shalt  }
0x84: {  	_ =	shalt  }
0x85: {  	_ =	shalt  }
0x86: {  	_ =	shalt  }
0x87: {  	_ =	shalt  }
.Lfunc_end0:
.L_simem_size_0:
called_computation_lowered:
.L_overlay_start_0:
0x88: {  	s2 =	sld [smem:$0x3FD9]  }
0x89: {  	s3 =	sld [smem:$0x3FFE];
	_ =	sdelay $0x1  }
0x8a: {  	s1 =	srdreg.scid  }
0x8b: {  	s0 =	sand.u32 $0x1, s1  }
0x8c: {  	s17 =	sshll.u32 s0, $0xA;
	s2 =	sadd.s32 s3, s2  }
0x8d: {  	s2 =	sadd.s32 s2, s17  }
0x8e: {  	[smem:$0x3FC6] =	sst s2  }
0x8f: {  	_ = 	snop  }
0x90: {  	s2 =	sld [smem:$0x3FC8]  }
0x91: {  	s18 =	sld [smem:$0x3FD0];
	(tm) =	ssettm $0x1  }
0x92: {  	s4 =	sld [smem:$0x3FFB];
	_ =	sdelay $0x3  }
0x93: {  	_ =	strace s4  }
0x94: {  	s4 =	sld [smem:$0x3FFC];
	_ =	sdelay $0x3  }
0x95: {  	_ =	strace s4  }
0x96: {  	s4 =	sld [smem:$0x3FFD];
	_ =	sdelay $0x3  }
0x97: {  	_ =	strace s4  }
0x98: {  	_ =	strace $0x8FFFFFFF  }
0x99: {  	s19 =	sld [smem:$0x3FDB];
	_ =	sdelay $0x1  }
0x9a: {  	s5 =	simm.s32 $_scs_section_size  }
0x9b: {  	s6 =	simm.s32 $_size__tile_overlayer_lowered;
	s7 =	simm.s32 $_tile_overlayer_lowered  }
0x9c: {  	s22 =	simm.s32 $0x1BFF;
	s21 =	sshll.u32 s7, $0x1;
	s4 =	sadd.s32 s5, s19  }
0x9d: {  	s8 =	simm.s32 $0x0;
	s20 =	sshll.u32 s6, $0x1;
	s6 =	sadd.s32 s21, s4  }
0x9e: {  	[timem:s8], [sflag:s22] =	dma.local [hbm:s6], s20  }
0x9f: {  	_ =	swait.ge [sflag:s22], s20  }
0xa0: {  	s5 =	ssub.s32 $0x0, s20;
	[sflag:s22] =	ssyncset.done $0x0  }
0xa1: {  	[sflag:s22] =	ssyncadd.s32 s5;
	_ =	sdelay $0x1  }
0xa2: {  	s23 =	simm.s32 $0x1B8B  }
0xa3: {  	_ =	swait.ge [sflag:s23], $0x1  }
0xa4: {  	[sflag:s23] =	ssyncset.done $0x0  }
0xa5: {  	s25 =	simm.s32 $0x1B8E;
	s24 =	sld [smem:$0x3FFE];
	[sflag:s23] =	ssyncadd.s32 $0xFFFFFFFF  }
0xa6: {  	s26 =	simm.s32 $execute0_lowered;
	[smem:$0x3FD2] =	sst s25  }
0xa7: {  	s6 =	sshll.u32 s26, $0x1;
	_ =	strace $0x80000046;
	[dreg:$0x1] =	wrdreg $0xFFFFFFFF  }
0xa8: {  	s28 =	simm.s32 $_size_execute0_lowered;
	s4 =	sadd.s32 s4, s6;
	[dreg:$0x0] =	wrdreg $0x0  }
0xa9: {  	s6 =	sshll.u32 s28, $0x1;
	[dreg:$0x2] =	wrdreg s4  }
0xaa: {  	[dreg:$0x3] =	wrdreg s6  }
0xab: {  	[dreg:$0x4] =	wrdreg $0xC0  }
0xac: {  	_ =	task [dreg:s8], $0x5FFFF  }
0xad: {  	[dreg:$0x1] =	wrdreg $0xFFFFFFFF  }
0xae: {  	[dreg:$0x0] =	wrdreg $0x60  }
0xaf: {  	[dreg:$0x2] =	wrdreg s2  }
0xb0: {  	[dreg:$0x3] =	wrdreg s24  }
0xb1: {  	[dreg:$0x4] =	wrdreg s18  }
0xb2: {  	[dreg:$0x5] =	wrdreg $0x9  }
0xb3: {  	_ =	task.clear_ibuf [dreg:s8], $0x6FFFF;
	_ =	strace $0x90000046  }
0xb4: {  	s29 =	simm.s32 $0x9;
	_ =	strace $0x80000048  }
0xb5: {  	_ =	swait.ge [sflag:s29], $0x1  }
0xb6: {  	[sflag:s29] =	ssyncadd.s32 $0xFFFFFFFF  }
0xb7: {  	_ =	strace $0x90000048  }
0xb8: {  	_ =	sfence  }
0xb9: {  	s30 =	sld [smem:$0x0];
	_ =	sdelay $0x2  }
0xba: {  	s31 =	sshll.u32 s1, $0xD;
	s1 =	sshrl.u32 s1, $0x2  }
0xbb: {  	s3 =	sand.u32 $0x4000, s31;
	s1 =	sadd.s32 s1, s30  }
0xbc: {  	s0 =	sor.u32 s3, s0;
	s1 =	sshll.u32 s1, $0x11  }
0xbd: {  	s0 =	sor.u32 s1, s0  }
0xbe: {  	s0 =	sadd.s32 $0x8F2B, s0  }
0xbf: {  	[sflag:s0] =	ssyncadd.remote.s32 $0x1  }
0xc0: {  	_ =	sfence.sel $0xFFFF  }
0xc1: {  	[dreg:$0x0] =	wrdreg $0xFFFFFFFF;
	(pc) =	sbr.abs _section_cstart, $3  }
0xc2: {  	[dreg:$0x1] =	wrdreg $0xFFFFFFFF  }
0xc3: {  	_ =	task.clear_ibuf [dreg:s8], $0x2FFFF;
	_ =	strace $0x9FFFFFFF  }
0xc4: {  	(tm) =	ssettm $0x7FFFFFFF  }
0xc5: {  	_ =	shalt  }
tec
execute0_lowered:
.L_overlay_start_1:
0x0: {  	(tag) =	ssettag $0x1  }
0x1: {  	s4 =	rddreg [dreg:$0x0]  }
0x2: {  	s3 =	rddreg [dreg:$0x1]  }
0x3: {  	s6 =	rddreg [dreg:$0x2]  }
0x4: {  	s0 =	rddreg [dreg:$0x3];
	s2 =	simm.s32 $0x0;
	s5 =	srdreg.scid  }
0x5: {  	s1 =	stileid.u32;
	s11 =	simm.s32 $0x1000;
	s12 =	simm.s32 $0x1800  }
0x6: {  	s13 =	simm.s32 $0x1;
	s14 =	simm.s32 $0x2;
	s15 =	simm.s32 $0x3  }
0x7: {  	s16 =	simm.s32 $0x4;
	s17 =	simm.s32 $0x0;
	[smem:$0x7FF] =	sst s2  }
0x8: {  	s7 =	sand.u32 $0x1, s5;
	s8 =	sshll.u32 s1, $0xD;
	s3 =	sadd.s32 $0x400, s3  }
0x9: {  	s30 =	sshll.u32 s1, $0xE;
	s5 =	ssub.s32 $0x2, s7;
	s9 =	sshll.u32 s7, $0xC  }
0xa: {  	_ =	strace $0x80000047;
	s31 =	sshll.u32 s7, $0xD;
	s10 =	sshrl.u32 s5, $0x1  }
0xb: {  	s8 =	sor.u32 s9, s8;
	s9 =	simm.s32 $0x5;
	s26 =	ssub.s32 s5, s10  }
0xc: {  	s28 =	sshrl.u32 s8, $0x3;
	s29 =	sshll.u32 s8, $0x1;
	s8 =	sadd.s32 s30, s6  }
0xd: {  	s10 =	simm.s32 $0x80;
	s4 =	sadd.s32 s4, s28;
	s5 =	sadd.s32 s6, s29  }
0xe: {  	s6 =	smax.u32 s26, $0x1;
	s8 =	sadd.s32 s31, s8;
	s7 =	sadd.s32 $0x100, s5  }
.LBB2_1:
0xf: {  	[tilespmem:s2], [sflag:$0x5] =	stream.linear.gather [hbm4b:s4+s2], $0x1000, $0x38;
	[tilespmem:$0x2000] =	vst v63  }
0x10: {  	_ =	swait.ge [sflag:s9], $0x1000  }
0x11: {  	[sflag:s9] =	ssyncset.done $0x0  }
0x12: {  	[sflag:s9] =	ssyncadd.s32 $0xFFFFF000  }
0x13: {  	[tilespmem:s11], [sflag:$0x1] =	stream.indirect.gather [hbm4b:s3+s10], $0x10, s2, s10, $0xb8;
	[tilespmem:$0x2000] =	vst v63  }
0x14: {  	_ = 	snop  }
0x15: {  	[tilespmem:s12], [sflag:$0x2] =	stream.indirect.gather [hbm4b:s3+s10], $0x10, s10, s10, $0xb8;
	[tilespmem:$0x2000] =	vst v63  }
0x16: {  	_ =	swait.ge [sflag:s13], $0x800  }
0x17: {  	[sflag:s13] =	ssyncset.done $0x0  }
0x18: {  	[sflag:s13] =	ssyncadd.s32 $0xFFFFF800  }
0x19: {  	[hbm4b:s5+s2] =	stream.linear.scatter [tilespmem:s11], [sflag:$0x3], $0x800, $0x38;
	[tilespmem:$0x2000] =	vst v63  }
0x1a: {  	_ =	swait.ge [sflag:s14], $0x800  }
0x1b: {  	[sflag:s14] =	ssyncset.done $0x0  }
0x1c: {  	[sflag:s14] =	ssyncadd.s32 $0xFFFFF800  }
0x1d: {  	[hbm4b:s7+s2] =	stream.linear.scatter [tilespmem:s12], [sflag:$0x4], $0x800, $0x38;
	[tilespmem:$0x2000] =	vst v63  }
0x1e: {  	_ =	swait.ge [sflag:s15], $0x800  }
0x1f: {  	[sflag:s15] =	ssyncset.done $0x0  }
0x20: {  	s18 =	simm.s32 $0x100;
	[sflag:s15] =	ssyncadd.s32 $0xFFFFF800  }
0x21: {  	[tilespmem:s11], [sflag:$0x1] =	stream.indirect.gather [hbm4b:s3+s10], $0x10, s18, s10, $0xb8;
	[tilespmem:$0x2000] =	vst v63  }
0x22: {  	_ =	swait.ge [sflag:s16], $0x800  }
0x23: {  	[sflag:s16] =	ssyncset.done $0x0  }
0x24: {  	s30 =	simm.s32 $0x180;
	[sflag:s16] =	ssyncadd.s32 $0xFFFFF800  }
0x25: {  	[tilespmem:s12], [sflag:$0x2] =	stream.indirect.gather [hbm4b:s3+s10], $0x10, s30, s10, $0xb8;
	[tilespmem:$0x2000] =	vst v63  }
0x26: {  	_ =	swait.ge [sflag:s13], $0x800  }
0x27: {  	s19 =	sadd.s32 $0x0, s8;
	[sflag:s13] =	ssyncset.done $0x0  }
0x28: {  	s31 =	sadd.s32 $0x200, s19;
	[sflag:s13] =	ssyncadd.s32 $0xFFFFF800  }
0x29: {  	[hbm4b:s31+s2] =	stream.linear.scatter [tilespmem:s11], [sflag:$0x3], $0x800, $0x38;
	[tilespmem:$0x2000] =	vst v63  }
0x2a: {  	_ =	swait.ge [sflag:s14], $0x800  }
0x2b: {  	s20 =	sadd.s32 $0x300, s19;
	[sflag:s14] =	ssyncset.done $0x0  }
0x2c: {  	s19 =	simm.s32 $0x200;
	s18 =	simm.s32 $0x200;
	[sflag:s14] =	ssyncadd.s32 $0xFFFFF800  }
.LBB2_2:
0x2d: {  	[hbm4b:s20+s2] =	stream.linear.scatter [tilespmem:s12], [sflag:$0x4], $0x800, $0x38;
	[tilespmem:$0x2000] =	vst v63  }
0x2e: {  	s20 =	smov.u32 s18  }
0x2f: {  	p0 =	sne.s32 s18, $0x1C00;
	s18 =	sadd.s32 $0x200, s18;
	_ =	swait.ge [sflag:s15], $0x800  }
0x30: {  	[sflag:s15] =	ssyncset.done $0x0  }
0x31: {  	[sflag:s15] =	ssyncadd.s32 $0xFFFFF800  }
0x32: {  	[tilespmem:s11], [sflag:$0x1] =	stream.indirect.gather [hbm4b:s3+s10], $0x10, s19, s10, $0xb8;
	[tilespmem:$0x2000] =	vst v63  }
0x33: {  	_ =	swait.ge [sflag:s16], $0x800  }
0x34: {  	[sflag:s16] =	ssyncset.done $0x0  }
0x35: {  	s21 =	sadd.s32 $0x80, s19;
	[sflag:s16] =	ssyncadd.s32 $0xFFFFF800  }
0x36: {  	[tilespmem:s12], [sflag:$0x2] =	stream.indirect.gather [hbm4b:s3+s10], $0x10, s21, s10, $0xb8;
	[tilespmem:$0x2000] =	vst v63  }
0x37: {  	_ =	swait.ge [sflag:s13], $0x800  }
0x38: {  	s20 =	sadd.s32 s20, s8;
	[sflag:s13] =	ssyncset.done $0x0  }
.Ltmp0:
0x39: {  	s21 =	sadd.s32 $0x200, s20;
	[sflag:s13] =	ssyncadd.s32 $0xFFFFF800;
	(pc) =	sbr.rel @p0 .LBB2_2-.Ltmp0, $4  }
0x3a: {  	[hbm4b:s21+s2] =	stream.linear.scatter [tilespmem:s11], [sflag:$0x3], $0x800, $0x38;
	[tilespmem:$0x2000] =	vst v63  }
0x3b: {  	_ =	swait.ge [sflag:s14], $0x800  }
0x3c: {  	[sflag:s14] =	ssyncset.done $0x0  }
0x3d: {  	s19 =	sadd.s32 $0x100, s19;
	s20 =	sadd.s32 $0x300, s20;
	[sflag:s14] =	ssyncadd.s32 $0xFFFFF800  }
0x3e: {  	[hbm4b:s20+s2] =	stream.linear.scatter [tilespmem:s12], [sflag:$0x4], $0x800, $0x38;
	[tilespmem:$0x2000] =	vst v63  }
0x3f: {  	s17 =	sadd.s32 $0x1, s17  }
0x40: {  	_ =	swait.ge [sflag:s15], $0x800;
	p0 =	sne.s32 s17, s6  }
.Ltmp1:
0x41: {  	[sflag:s15] =	ssyncset.done $0x0;
	(pc) =	sbr.rel @p0 .LBB2_1-.Ltmp1, $4  }
0x42: {  	[sflag:s15] =	ssyncadd.s32 $0xFFFFF800  }
0x43: {  	_ =	swait.ge [sflag:s16], $0x800  }
0x44: {  	[sflag:s16] =	ssyncset.done $0x0  }
0x45: {  	[sflag:s16] =	ssyncadd.s32 $0xFFFFF800  }
0x46: {  	_ =	sfence.sel $0x180000  }
0x47: {  	[bflag:$0x0] =	sbarrier.arrive $0xFFFF  }
0x48: {  	p0 =	sne.s32 s1, $0x0;
	_ =	strace $0x90000047  }
0x49: {  	s0 =	sadd.s32 @!p0 $0x100000, s0;
	[bflag:$0x2] =	sbarrier.arrive $0xFFFF  }
0x4a: {  	[sflag:s0] =	ssyncadd.tile.s32 @!p0 $0x1;
	_ =	shalt  }
.Lfunc_end2:
_tile_overlayer_lowered:
.L_overlay_start_2:
0x4b: {  	(tag) =	ssettag $0x2  }
0x4c: {  	s0 =	rddreg [dreg:$0x0];
	s2 =	stileid.u32  }
0x4d: {  	s1 =	rddreg [dreg:$0x1];
	p0 =	sne.s32 s2, $0x0  }
0x4e: {  	s3 =	rddreg [dreg:$0x2];
	[bflag:$0x3] =	sbarrier.arrive $0xFFFF;
	s2 =	simm.s32 @!p0 $0x1C05  }
0x4f: {  	[timem:s3], [sflag:s2] =	dma.local @!p0 [hbm:s0], s1  }
0x50: {  	s0 =	simm.s32 @!p0 $0x5  }
0x51: {  	_ =	swait.ge @!p0 [sflag:s0], s1  }
0x52: {  	s1 =	ssub.s32 @!p0 $0x0, s1;
	[sflag:s0] =	ssyncset.done @!p0 $0x0  }
0x53: {  	[sflag:s0] =	ssyncadd.s32 @!p0 s1  }
0x54: {  	[bflag:$0x3] =	sbarrier.arrive $0xFFFF  }
0x55: {  	_ =	shalt  }

</sc_bundles>
